<compile_context>
chip_gen: v7x
topology: tpu7x:2x2x1
jax: 0.10.2.dev20260603
libtpu: 0.0.44.dev20260713+nightly
codegen_flags: <defaults>
</compile_context>

<pallas_src>
import functools

import numpy as np
import jax
import jax.numpy as jnp
from jax import lax
from jax.experimental import pallas as pl
from jax.experimental.pallas import tpu as pltpu
from jax.experimental.pallas import tpu_sc as plsc

_MIN_GAP = 4
_MAX_GAP = 48
_REPEATED_SAMPLING = 4


def _temporal_indices(t: int):
    max_gap = min(_MAX_GAP, t - 1)
    gap = np.linspace(_MIN_GAP, max_gap, _REPEATED_SAMPLING).astype(np.int32)
    return [0] + [int(g) for g in gap]


def kernel(x):
    b, c, t, h, w = x.shape
    idx = _temporal_indices(t)
    k = len(idx)
    bc = b * c
    n_planes = bc * k
    n_pairs = n_planes // 2

    info = plsc.get_sparse_core_info()
    nc, ns = info.num_cores, info.num_subcores

    xv = x.reshape(bc * t, h, w)

    mesh = plsc.VectorSubcoreMesh(core_axis_name="c", subcore_axis_name="s")
    scratch = [
        pltpu.VMEM((h, w), x.dtype),
        pltpu.VMEM((h, w), x.dtype),
        pltpu.SemaphoreType.DMA,
        pltpu.SemaphoreType.DMA,
        pltpu.SemaphoreType.DMA,
        pltpu.SemaphoreType.DMA,
    ]

    @functools.partial(
        pl.kernel,
        mesh=mesh,
        out_type=jax.ShapeDtypeStruct((n_planes, h, w), x.dtype),
        scratch_types=scratch,
    )
    def sc_copy(x_hbm, o_hbm, buf0, buf1, gs0, gs1, ss0, ss1):
        wid = lax.axis_index("s") * nc + lax.axis_index("c")

        def src_plane(u):
            p = u // k
            r = u - p * k
            tsel = sum(v * (r == kk) for kk, v in enumerate(idx))
            return p * t + tsel

        u0 = 2 * wid
        u1 = 2 * wid + 1

        @pl.when(wid < n_pairs)
        def _():
            g0 = pltpu.async_copy(x_hbm.at[src_plane(u0)], buf0, gs0)
            g1 = pltpu.async_copy(x_hbm.at[src_plane(u1)], buf1, gs1)
            g0.wait()
            s0 = pltpu.async_copy(buf0, o_hbm.at[u0], ss0)
            g1.wait()
            s1 = pltpu.async_copy(buf1, o_hbm.at[u1], ss1)
            s0.wait()
            s1.wait()

    out = sc_copy(xv)
    return out.reshape(b, c, k, h, w)

# --- scband reference (transcript-rebuilt; emitter-appended) ---
"""Pipeline reference for scband-linear-temporal-subsample-2774548873602 (READ-ONLY COPY).

The authoritative reference and input builder live on the scoring server;
editing this copy changes nothing except your own understanding.
"""

import jax, jax.numpy as jnp
import numpy as np

MIN_GAP = 4
MAX_GAP = 48
TEMPORAL_DIM = -3
REPEATED_SAMPLING = 4


def setup_inputs(seed: int = 0) -> dict:
    key = jax.random.key(seed)
    x = jax.random.normal(key, (4, 3, 32, 224, 224), dtype=jnp.float32)
    return {"x": x}


def reference(x):
    # max_gap = min(self.max_gap, x.shape[temporal_dim] - 1)
    t = x.shape[TEMPORAL_DIM]
    max_gap = min(MAX_GAP, t - 1)
    # torch.linspace(min_gap, max_gap, repeated_sampling, dtype=torch.long)
    gap = jnp.linspace(MIN_GAP, max_gap, REPEATED_SAMPLING).astype(jnp.int32)
    idx = jnp.concatenate([jnp.zeros((1,), dtype=jnp.int32), gap])
    # torch.index_select(x, temporal_dim, idx)
    return jnp.take(x, idx, axis=TEMPORAL_DIM)

if __name__ == "__main__":
    import jax
    _d = setup_inputs()
    print(jax.jit(kernel)(*tuple(_d.values())))

</pallas_src>

<mosaic_0001>
#map = affine_map<(d0, d1) -> (0, 0, 0)>
module attributes {stable_mosaic.version = 14 : i64} {
  func.func @sc_copy(%arg0: i32, %arg1: i32, %arg2: memref<384x224x224xf32, #tpu.memory_space<hbm>>, %arg3: memref<60x224x224xf32, #tpu.memory_space<hbm>>, %arg4: memref<224x224xf32, #tpu.memory_space<vmem>>, %arg5: memref<224x224xf32, #tpu.memory_space<vmem>>, %arg6: memref<!tpu.dma_semaphore, #tpu.memory_space<semaphore_mem>>, %arg7: memref<!tpu.dma_semaphore, #tpu.memory_space<semaphore_mem>>, %arg8: memref<!tpu.dma_semaphore, #tpu.memory_space<semaphore_mem>>, %arg9: memref<!tpu.dma_semaphore, #tpu.memory_space<semaphore_mem>>) attributes {dimension_semantics = [#tpu.dimension_semantics<core_parallel>, #tpu.dimension_semantics<subcore_parallel>], iteration_bounds = array<i64: 2, 16>, scalar_prefetch = 0 : i64, scratch_operands = 6 : i64, tpu.core_type = #tpu.core_type<sc_vector_subcore>, window_params = [{transform_indices = #map}, {transform_indices = #map}]} {
    %mul3A = arith.constant 2 : i32
    %mul3A_0 = arith.muli %arg1, %mul3A : i32
    %add3A = arith.addi %mul3A_0, %arg0 : i32
    %mul3A_1 = arith.constant 2 : i32
    %mul3A_2 = arith.muli %mul3A_1, %add3A : i32
    %mul3A_3 = arith.constant 2 : i32
    %mul3A_4 = arith.muli %mul3A_3, %add3A : i32
    %add3A_5 = arith.constant 1 : i32
    %add3A_6 = arith.addi %mul3A_4, %add3A_5 : i32
    %lt3A = arith.constant 30 : i32
    %lt3A_7 = arith.cmpi slt, %add3A, %lt3A : i32
    %convert_element_type3A = arith.extui %lt3A_7 : i1 to i32
    %cond3A = arith.constant 0 : i32
    %cond3A_8 = arith.cmpi ne, %convert_element_type3A, %cond3A : i32
    scf.if %cond3A_8 {
      %jit3A = arith.constant 5 : i32
      %div3A = arith.divsi %mul3A_2, %jit3A : i32
      %sign3A = arith.constant 0 : i32
      %sign3A_9 = arith.cmpi sgt, %mul3A_2, %sign3A : i32
      %sign3A_10 = arith.extui %sign3A_9 : i1 to i32
      %sign3A_11 = arith.constant 0 : i32
      %sign3A_12 = arith.cmpi slt, %mul3A_2, %sign3A_11 : i32
      %sign3A_13 = arith.extui %sign3A_12 : i1 to i32
      %sign3A_14 = arith.subi %sign3A_10, %sign3A_13 : i32
      %sign3A_15 = arith.constant 0 : i32
      %sign3A_16 = arith.cmpi sgt, %jit3A, %sign3A_15 : i32
      %sign3A_17 = arith.extui %sign3A_16 : i1 to i32
      %sign3A_18 = arith.constant 0 : i32
      %sign3A_19 = arith.cmpi slt, %jit3A, %sign3A_18 : i32
      %sign3A_20 = arith.extui %sign3A_19 : i1 to i32
      %sign3A_21 = arith.subi %sign3A_17, %sign3A_20 : i32
      %ne3A = arith.cmpi ne, %sign3A_14, %sign3A_21 : i32
      %rem3A = arith.remsi %mul3A_2, %jit3A : i32
      %ne3A_22 = arith.constant 0 : i32
      %ne3A_23 = arith.cmpi ne, %rem3A, %ne3A_22 : i32
      %and3A = arith.andi %ne3A, %ne3A_23 : i1
      %sub3A = arith.constant 1 : i32
      %sub3A_24 = arith.subi %div3A, %sub3A : i32
      %select_n3A = arith.select %and3A, %sub3A_24, %div3A : i32
      %mul3A_25 = arith.constant 5 : i32
      %mul3A_26 = arith.muli %select_n3A, %mul3A_25 : i32
      %sub3A_27 = arith.subi %mul3A_2, %mul3A_26 : i32
      %eq3A = arith.constant 0 : i32
      %eq3A_28 = arith.cmpi eq, %sub3A_27, %eq3A : i32
      %convert_element_type3A_29 = arith.extui %eq3A_28 : i1 to i32
      %mul3A_30 = arith.constant 0 : i32
      %mul3A_31 = arith.muli %mul3A_30, %convert_element_type3A_29 : i32
      %add3A_32 = arith.constant 0 : i32
      %add3A_33 = arith.addi %add3A_32, %mul3A_31 : i32
      %eq3A_34 = arith.constant 1 : i32
      %eq3A_35 = arith.cmpi eq, %sub3A_27, %eq3A_34 : i32
      %convert_element_type3A_36 = arith.extui %eq3A_35 : i1 to i32
      %mul3A_37 = arith.constant 4 : i32
      %mul3A_38 = arith.muli %mul3A_37, %convert_element_type3A_36 : i32
      %add3A_39 = arith.addi %add3A_33, %mul3A_38 : i32
      %eq3A_40 = arith.constant 2 : i32
      %eq3A_41 = arith.cmpi eq, %sub3A_27, %eq3A_40 : i32
      %convert_element_type3A_42 = arith.extui %eq3A_41 : i1 to i32
      %mul3A_43 = arith.constant 13 : i32
      %mul3A_44 = arith.muli %mul3A_43, %convert_element_type3A_42 : i32
      %add3A_45 = arith.addi %add3A_39, %mul3A_44 : i32
      %eq3A_46 = arith.constant 3 : i32
      %eq3A_47 = arith.cmpi eq, %sub3A_27, %eq3A_46 : i32
      %convert_element_type3A_48 = arith.extui %eq3A_47 : i1 to i32
      %mul3A_49 = arith.constant 22 : i32
      %mul3A_50 = arith.muli %mul3A_49, %convert_element_type3A_48 : i32
      %add3A_51 = arith.addi %add3A_45, %mul3A_50 : i32
      %eq3A_52 = arith.constant 4 : i32
      %eq3A_53 = arith.cmpi eq, %sub3A_27, %eq3A_52 : i32
      %convert_element_type3A_54 = arith.extui %eq3A_53 : i1 to i32
      %mul3A_55 = arith.constant 31 : i32
      %mul3A_56 = arith.muli %mul3A_55, %convert_element_type3A_54 : i32
      %add3A_57 = arith.addi %add3A_51, %mul3A_56 : i32
      %mul3A_58 = arith.constant 32 : i32
      %mul3A_59 = arith.muli %select_n3A, %mul3A_58 : i32
      %add3A_60 = arith.addi %mul3A_59, %add3A_57 : i32
      %dma_start3A = arith.constant 0 : i32
      %dma_start3A_61 = arith.constant 0 : i32
      %dma_start3A_62 = tpu.memref_slice %arg2[%add3A_60, %dma_start3A, %dma_start3A_61] : memref<384x224x224xf32, #tpu.memory_space<hbm>> -> memref<1x224x224xf32, #tpu.memory_space<hbm>>
      %dma_start3A_63 = tpu.memref_squeeze %dma_start3A_62 : memref<1x224x224xf32, #tpu.memory_space<hbm>> -> memref<224x224xf32, #tpu.memory_space<hbm>>
      %dma_start3A_64 = arith.constant 0 : i32
      %dma_start3A_65 = arith.constant 0 : i32
      %dma_start3A_66 = tpu.memref_slice %arg2[%add3A_60, %dma_start3A_64, %dma_start3A_65] : memref<384x224x224xf32, #tpu.memory_space<hbm>> -> memref<1x224x224xf32, #tpu.memory_space<hbm>>
      %dma_start3A_67 = tpu.memref_squeeze %dma_start3A_66 : memref<1x224x224xf32, #tpu.memory_space<hbm>> -> memref<224x224xf32, #tpu.memory_space<hbm>>
      tpu.enqueue_dma source(%dma_start3A_67 : memref<224x224xf32, #tpu.memory_space<hbm>>) target(%arg4 : memref<224x224xf32, #tpu.memory_space<vmem>>) target_semaphore(%arg6 : memref<!tpu.dma_semaphore, #tpu.memory_space<semaphore_mem>>)
      %jit3A_68 = arith.constant 5 : i32
      %div3A_69 = arith.divsi %add3A_6, %jit3A_68 : i32
      %sign3A_70 = arith.constant 0 : i32
      %sign3A_71 = arith.cmpi sgt, %add3A_6, %sign3A_70 : i32
      %sign3A_72 = arith.extui %sign3A_71 : i1 to i32
      %sign3A_73 = arith.constant 0 : i32
      %sign3A_74 = arith.cmpi slt, %add3A_6, %sign3A_73 : i32
      %sign3A_75 = arith.extui %sign3A_74 : i1 to i32
      %sign3A_76 = arith.subi %sign3A_72, %sign3A_75 : i32
      %sign3A_77 = arith.constant 0 : i32
      %sign3A_78 = arith.cmpi sgt, %jit3A_68, %sign3A_77 : i32
      %sign3A_79 = arith.extui %sign3A_78 : i1 to i32
      %sign3A_80 = arith.constant 0 : i32
      %sign3A_81 = arith.cmpi slt, %jit3A_68, %sign3A_80 : i32
      %sign3A_82 = arith.extui %sign3A_81 : i1 to i32
      %sign3A_83 = arith.subi %sign3A_79, %sign3A_82 : i32
      %ne3A_84 = arith.cmpi ne, %sign3A_76, %sign3A_83 : i32
      %rem3A_85 = arith.remsi %add3A_6, %jit3A_68 : i32
      %ne3A_86 = arith.constant 0 : i32
      %ne3A_87 = arith.cmpi ne, %rem3A_85, %ne3A_86 : i32
      %and3A_88 = arith.andi %ne3A_84, %ne3A_87 : i1
      %sub3A_89 = arith.constant 1 : i32
      %sub3A_90 = arith.subi %div3A_69, %sub3A_89 : i32
      %select_n3A_91 = arith.select %and3A_88, %sub3A_90, %div3A_69 : i32
      %mul3A_92 = arith.constant 5 : i32
      %mul3A_93 = arith.muli %select_n3A_91, %mul3A_92 : i32
      %sub3A_94 = arith.subi %add3A_6, %mul3A_93 : i32
      %eq3A_95 = arith.constant 0 : i32
      %eq3A_96 = arith.cmpi eq, %sub3A_94, %eq3A_95 : i32
      %convert_element_type3A_97 = arith.extui %eq3A_96 : i1 to i32
      %mul3A_98 = arith.constant 0 : i32
      %mul3A_99 = arith.muli %mul3A_98, %convert_element_type3A_97 : i32
      %add3A_100 = arith.constant 0 : i32
      %add3A_101 = arith.addi %add3A_100, %mul3A_99 : i32
      %eq3A_102 = arith.constant 1 : i32
      %eq3A_103 = arith.cmpi eq, %sub3A_94, %eq3A_102 : i32
      %convert_element_type3A_104 = arith.extui %eq3A_103 : i1 to i32
      %mul3A_105 = arith.constant 4 : i32
      %mul3A_106 = arith.muli %mul3A_105, %convert_element_type3A_104 : i32
      %add3A_107 = arith.addi %add3A_101, %mul3A_106 : i32
      %eq3A_108 = arith.constant 2 : i32
      %eq3A_109 = arith.cmpi eq, %sub3A_94, %eq3A_108 : i32
      %convert_element_type3A_110 = arith.extui %eq3A_109 : i1 to i32
      %mul3A_111 = arith.constant 13 : i32
      %mul3A_112 = arith.muli %mul3A_111, %convert_element_type3A_110 : i32
      %add3A_113 = arith.addi %add3A_107, %mul3A_112 : i32
      %eq3A_114 = arith.constant 3 : i32
      %eq3A_115 = arith.cmpi eq, %sub3A_94, %eq3A_114 : i32
      %convert_element_type3A_116 = arith.extui %eq3A_115 : i1 to i32
      %mul3A_117 = arith.constant 22 : i32
      %mul3A_118 = arith.muli %mul3A_117, %convert_element_type3A_116 : i32
      %add3A_119 = arith.addi %add3A_113, %mul3A_118 : i32
      %eq3A_120 = arith.constant 4 : i32
      %eq3A_121 = arith.cmpi eq, %sub3A_94, %eq3A_120 : i32
      %convert_element_type3A_122 = arith.extui %eq3A_121 : i1 to i32
      %mul3A_123 = arith.constant 31 : i32
      %mul3A_124 = arith.muli %mul3A_123, %convert_element_type3A_122 : i32
      %add3A_125 = arith.addi %add3A_119, %mul3A_124 : i32
      %mul3A_126 = arith.constant 32 : i32
      %mul3A_127 = arith.muli %select_n3A_91, %mul3A_126 : i32
      %add3A_128 = arith.addi %mul3A_127, %add3A_125 : i32
      %dma_start3A_129 = arith.constant 0 : i32
      %dma_start3A_130 = arith.constant 0 : i32
      %dma_start3A_131 = tpu.memref_slice %arg2[%add3A_128, %dma_start3A_129, %dma_start3A_130] : memref<384x224x224xf32, #tpu.memory_space<hbm>> -> memref<1x224x224xf32, #tpu.memory_space<hbm>>
      %dma_start3A_132 = tpu.memref_squeeze %dma_start3A_131 : memref<1x224x224xf32, #tpu.memory_space<hbm>> -> memref<224x224xf32, #tpu.memory_space<hbm>>
      %dma_start3A_133 = arith.constant 0 : i32
      %dma_start3A_134 = arith.constant 0 : i32
      %dma_start3A_135 = tpu.memref_slice %arg2[%add3A_128, %dma_start3A_133, %dma_start3A_134] : memref<384x224x224xf32, #tpu.memory_space<hbm>> -> memref<1x224x224xf32, #tpu.memory_space<hbm>>
      %dma_start3A_136 = tpu.memref_squeeze %dma_start3A_135 : memref<1x224x224xf32, #tpu.memory_space<hbm>> -> memref<224x224xf32, #tpu.memory_space<hbm>>
      tpu.enqueue_dma source(%dma_start3A_136 : memref<224x224xf32, #tpu.memory_space<hbm>>) target(%arg5 : memref<224x224xf32, #tpu.memory_space<vmem>>) target_semaphore(%arg7 : memref<!tpu.dma_semaphore, #tpu.memory_space<semaphore_mem>>)
      %dma_wait3A = arith.constant 0 : i32
      %dma_wait3A_137 = arith.constant 0 : i32
      %dma_wait3A_138 = tpu.memref_slice %arg2[%add3A_60, %dma_wait3A, %dma_wait3A_137] : memref<384x224x224xf32, #tpu.memory_space<hbm>> -> memref<1x224x224xf32, #tpu.memory_space<hbm>>
      %dma_wait3A_139 = tpu.memref_squeeze %dma_wait3A_138 : memref<1x224x224xf32, #tpu.memory_space<hbm>> -> memref<224x224xf32, #tpu.memory_space<hbm>>
      %dma_wait3A_140 = arith.constant 0 : i32
      %dma_wait3A_141 = arith.constant 0 : i32
      %dma_wait3A_142 = tpu.memref_slice %arg2[%add3A_60, %dma_wait3A_140, %dma_wait3A_141] : memref<384x224x224xf32, #tpu.memory_space<hbm>> -> memref<1x224x224xf32, #tpu.memory_space<hbm>>
      %dma_wait3A_143 = tpu.memref_squeeze %dma_wait3A_142 : memref<1x224x224xf32, #tpu.memory_space<hbm>> -> memref<224x224xf32, #tpu.memory_space<hbm>>
      tpu.wait_dma2 semaphore(%arg6 : memref<!tpu.dma_semaphore, #tpu.memory_space<semaphore_mem>>) src(%dma_wait3A_143 : memref<224x224xf32, #tpu.memory_space<hbm>>) dst(%arg4 : memref<224x224xf32, #tpu.memory_space<vmem>>)
      %dma_start3A_144 = arith.constant 0 : i32
      %dma_start3A_145 = arith.constant 0 : i32
      %dma_start3A_146 = tpu.memref_slice %arg3[%mul3A_2, %dma_start3A_144, %dma_start3A_145] : memref<60x224x224xf32, #tpu.memory_space<hbm>> -> memref<1x224x224xf32, #tpu.memory_space<hbm>>
      %dma_start3A_147 = tpu.memref_squeeze %dma_start3A_146 : memref<1x224x224xf32, #tpu.memory_space<hbm>> -> memref<224x224xf32, #tpu.memory_space<hbm>>
      %dma_start3A_148 = arith.constant 0 : i32
      %dma_start3A_149 = arith.constant 0 : i32
      %dma_start3A_150 = tpu.memref_slice %arg3[%mul3A_2, %dma_start3A_148, %dma_start3A_149] : memref<60x224x224xf32, #tpu.memory_space<hbm>> -> memref<1x224x224xf32, #tpu.memory_space<hbm>>
      %dma_start3A_151 = tpu.memref_squeeze %dma_start3A_150 : memref<1x224x224xf32, #tpu.memory_space<hbm>> -> memref<224x224xf32, #tpu.memory_space<hbm>>
      tpu.enqueue_dma source(%arg4 : memref<224x224xf32, #tpu.memory_space<vmem>>) target(%dma_start3A_151 : memref<224x224xf32, #tpu.memory_space<hbm>>) target_semaphore(%arg8 : memref<!tpu.dma_semaphore, #tpu.memory_space<semaphore_mem>>)
      %dma_wait3A_152 = arith.constant 0 : i32
      %dma_wait3A_153 = arith.constant 0 : i32
      %dma_wait3A_154 = tpu.memref_slice %arg2[%add3A_128, %dma_wait3A_152, %dma_wait3A_153] : memref<384x224x224xf32, #tpu.memory_space<hbm>> -> memref<1x224x224xf32, #tpu.memory_space<hbm>>
      %dma_wait3A_155 = tpu.memref_squeeze %dma_wait3A_154 : memref<1x224x224xf32, #tpu.memory_space<hbm>> -> memref<224x224xf32, #tpu.memory_space<hbm>>
      %dma_wait3A_156 = arith.constant 0 : i32
      %dma_wait3A_157 = arith.constant 0 : i32
      %dma_wait3A_158 = tpu.memref_slice %arg2[%add3A_128, %dma_wait3A_156, %dma_wait3A_157] : memref<384x224x224xf32, #tpu.memory_space<hbm>> -> memref<1x224x224xf32, #tpu.memory_space<hbm>>
      %dma_wait3A_159 = tpu.memref_squeeze %dma_wait3A_158 : memref<1x224x224xf32, #tpu.memory_space<hbm>> -> memref<224x224xf32, #tpu.memory_space<hbm>>
      tpu.wait_dma2 semaphore(%arg7 : memref<!tpu.dma_semaphore, #tpu.memory_space<semaphore_mem>>) src(%dma_wait3A_159 : memref<224x224xf32, #tpu.memory_space<hbm>>) dst(%arg5 : memref<224x224xf32, #tpu.memory_space<vmem>>)
      %dma_start3A_160 = arith.constant 0 : i32
      %dma_start3A_161 = arith.constant 0 : i32
      %dma_start3A_162 = tpu.memref_slice %arg3[%add3A_6, %dma_start3A_160, %dma_start3A_161] : memref<60x224x224xf32, #tpu.memory_space<hbm>> -> memref<1x224x224xf32, #tpu.memory_space<hbm>>
      %dma_start3A_163 = tpu.memref_squeeze %dma_start3A_162 : memref<1x224x224xf32, #tpu.memory_space<hbm>> -> memref<224x224xf32, #tpu.memory_space<hbm>>
      %dma_start3A_164 = arith.constant 0 : i32
      %dma_start3A_165 = arith.constant 0 : i32
      %dma_start3A_166 = tpu.memref_slice %arg3[%add3A_6, %dma_start3A_164, %dma_start3A_165] : memref<60x224x224xf32, #tpu.memory_space<hbm>> -> memref<1x224x224xf32, #tpu.memory_space<hbm>>
      %dma_start3A_167 = tpu.memref_squeeze %dma_start3A_166 : memref<1x224x224xf32, #tpu.memory_space<hbm>> -> memref<224x224xf32, #tpu.memory_space<hbm>>
      tpu.enqueue_dma source(%arg5 : memref<224x224xf32, #tpu.memory_space<vmem>>) target(%dma_start3A_167 : memref<224x224xf32, #tpu.memory_space<hbm>>) target_semaphore(%arg9 : memref<!tpu.dma_semaphore, #tpu.memory_space<semaphore_mem>>)
      %dma_wait3A_168 = arith.constant 0 : i32
      %dma_wait3A_169 = arith.constant 0 : i32
      %dma_wait3A_170 = tpu.memref_slice %arg3[%mul3A_2, %dma_wait3A_168, %dma_wait3A_169] : memref<60x224x224xf32, #tpu.memory_space<hbm>> -> memref<1x224x224xf32, #tpu.memory_space<hbm>>
      %dma_wait3A_171 = tpu.memref_squeeze %dma_wait3A_170 : memref<1x224x224xf32, #tpu.memory_space<hbm>> -> memref<224x224xf32, #tpu.memory_space<hbm>>
      %dma_wait3A_172 = arith.constant 0 : i32
      %dma_wait3A_173 = arith.constant 0 : i32
      %dma_wait3A_174 = tpu.memref_slice %arg3[%mul3A_2, %dma_wait3A_172, %dma_wait3A_173] : memref<60x224x224xf32, #tpu.memory_space<hbm>> -> memref<1x224x224xf32, #tpu.memory_space<hbm>>
      %dma_wait3A_175 = tpu.memref_squeeze %dma_wait3A_174 : memref<1x224x224xf32, #tpu.memory_space<hbm>> -> memref<224x224xf32, #tpu.memory_space<hbm>>
      tpu.wait_dma2 semaphore(%arg8 : memref<!tpu.dma_semaphore, #tpu.memory_space<semaphore_mem>>) src(%arg4 : memref<224x224xf32, #tpu.memory_space<vmem>>) dst(%dma_wait3A_175 : memref<224x224xf32, #tpu.memory_space<hbm>>)
      %dma_wait3A_176 = arith.constant 0 : i32
      %dma_wait3A_177 = arith.constant 0 : i32
      %dma_wait3A_178 = tpu.memref_slice %arg3[%add3A_6, %dma_wait3A_176, %dma_wait3A_177] : memref<60x224x224xf32, #tpu.memory_space<hbm>> -> memref<1x224x224xf32, #tpu.memory_space<hbm>>
      %dma_wait3A_179 = tpu.memref_squeeze %dma_wait3A_178 : memref<1x224x224xf32, #tpu.memory_space<hbm>> -> memref<224x224xf32, #tpu.memory_space<hbm>>
      %dma_wait3A_180 = arith.constant 0 : i32
      %dma_wait3A_181 = arith.constant 0 : i32
      %dma_wait3A_182 = tpu.memref_slice %arg3[%add3A_6, %dma_wait3A_180, %dma_wait3A_181] : memref<60x224x224xf32, #tpu.memory_space<hbm>> -> memref<1x224x224xf32, #tpu.memory_space<hbm>>
      %dma_wait3A_183 = tpu.memref_squeeze %dma_wait3A_182 : memref<1x224x224xf32, #tpu.memory_space<hbm>> -> memref<224x224xf32, #tpu.memory_space<hbm>>
      tpu.wait_dma2 semaphore(%arg9 : memref<!tpu.dma_semaphore, #tpu.memory_space<semaphore_mem>>) src(%arg5 : memref<224x224xf32, #tpu.memory_space<vmem>>) dst(%dma_wait3A_183 : memref<224x224xf32, #tpu.memory_space<hbm>>)
    } else {
    }
    return
  }
}

</mosaic_0001>

<sc_bundles>
// kernel: kernel.3.cloned.1.call-start
scs
__scs_entry_jumppad:
0x0: {  	(pc) =	sbr.rel $0x88, $3  }
0x1: {  	(tag) =	ssettag $0x0;
	lr =	simm.s32 $0x1  }
0x2: {  	[smem:$0x3FA0] =	sst lr;
	_ =	strace $0xD0000000  }
0x3: {  	_ = 	snop  }
0x4: {  	_ = 	snop  }
0x5: {  	_ = 	snop  }
0x6: {  	_ = 	snop  }
0x7: {  	_ = 	snop  }
__scs_overlays_trampoline_lowered:
0x8: {  	[smem:$0x3FAF] =	sst s0  }
0x9: {  	[smem:$0x3FB0] =	sst s1  }
0xa: {  	[smem:$0x3FB1] =	sst s2  }
0xb: {  	[smem:$0x3FB2] =	sst s3  }
0xc: {  	[smem:$0x3FB3] =	sst s4  }
0xd: {  	[smem:$0x3FB4] =	sst s5  }
0xe: {  	[smem:$0x3FB5] =	sst s6  }
0xf: {  	[smem:$0x3FB6] =	sst s7  }
0x10: {  	[smem:$0x3FB7] =	sst s8  }
0x11: {  	[smem:$0x3FB8] =	sst s9;
	s0 =	simm.s32 @!p0 $0x0  }
0x12: {  	s1 =	sld [smem:$0x3F9E];
	s0 =	simm.s32 @p0 $0x1  }
0x13: {  	[smem:$0x3FB9] =	sst s0;
	s0 =	simm.s32 @!p1 $0x0  }
0x14: {  	s2 =	sld [smem:$0x3F9D];
	s0 =	simm.s32 @p1 $0x1  }
0x15: {  	[smem:$0x3FBA] =	sst s0;
	s0 =	simm.s32 @!p2 $0x0  }
0x16: {  	s3 =	sld [smem:$0x3FDB];
	s0 =	simm.s32 @p2 $0x1  }
0x17: {  	s4 =	simm.s32 $0x1BF5;
	[smem:$0x3FBC] =	sst s0  }
0x18: {  	s0 =	sld [smem:$0x3F9F];
	_ =	swait.ge [sflag:s4], $0x0  }
0x19: {  	s7 =	sld [smem:$0x3FA0]  }
0x1a: {  	s8 =	sadd.s32 $0xFFFFE003, lr  }
0x1b: {  	s9 =	sadd.s32 $0xFFFFFEF7, lr;
	s5 =	simm.s32 $0xFFFFFFFF;
	p2 =	slt.u32 s8, $0xFFFFF086  }
0x1c: {  	p1 =	slt.u32 s9, $0xF7A;
	s5 =	simm.s32 @!p2 $0x0  }
0x1d: {  	s5 =	simm.s32 @p1 $0x1;
	p0 =	seq.s32 s7, s2  }
0x1e: {  	s7 =	smul.u32 @!p0 $0xF7A, s2;
	p2 =	seq.s32 @!p0 s5, $0x0  }
0x1f: {  	s9 =	smul.u32 $0xF7A, s1;
	s8 =	simm.s32 @!p0 $0x1BF5;
	p2 =	por !p2, p0  }
0x20: {  	[sflag:s8] =	ssyncset.s32 @!p0 $0xFFFFF086;
	s6 =	sadd.s32 @!p0 s3, s7;
	s7 =	simm.s32 @!p0 $0x108  }
0x21: {  	s3 =	sadd.s32 s3, s9;
	s6 =	sadd.s32 @!p0 $0x88, s6;
	s7 =	simm.s32 @p2 $0x1082  }
0x22: {  	[simem:s7], [sflag:s8] =	dma.local @!p0 [hbm:s6], $0xF7A  }
0x23: {  	s9 =	sor.u32 $0xD0000000, s2;
	s6 =	simm.s32 $0x108;
	_ =	swait.ge @!p0 [sflag:s8], $0x0  }
0x24: {  	s3 =	sadd.s32 $0x88, s3;
	s6 =	simm.s32 @!p1 $0x1082;
	[sflag:s4] =	ssyncset.s32 $0xFFFFF086  }
0x25: {  	[simem:s6], [sflag:s4] =	dma.local [hbm:s3], $0xF7A  }
0x26: {  	[smem:$0x3FA0] =	sst s1;
	(tag) =	ssettag s2;
	_ =	strace s9  }
0x27: {  	s1 =	sld [smem:$0x3FB0]  }
0x28: {  	s2 =	sld [smem:$0x3FB1]  }
0x29: {  	s4 =	sld [smem:$0x3FB3]  }
0x2a: {  	p0 =	seq.s32 s5, $0x0;
	s5 =	sld [smem:$0x3FB4]  }
0x2b: {  	s6 =	sld [smem:$0x3FB5]  }
0x2c: {  	s7 =	sld [smem:$0x3FB6]  }
0x2d: {  	s3 =	simm.s32 $0x108;
	s8 =	sld [smem:$0x3FB7]  }
0x2e: {  	s3 =	simm.s32 @!p0 $0x1082;
	s9 =	sld [smem:$0x3FB8]  }
0x2f: {  	lr =	sadd.s32 s0, s3;
	s0 =	sld [smem:$0x3FAF]  }
0x30: {  	s3 =	sld [smem:$0x3FB2]  }
0x31: {  	[smem:$0x3FBB] =	sst s10  }
0x32: {  	s10 =	sld [smem:$0x3FB9];
	_ =	sdelay $0x3  }
0x33: {  	p0 =	seq.s32 s10, $0x1;
	s10 =	sld [smem:$0x3FBB];
	_ =	sdelay $0x3  }
0x34: {  	[smem:$0x3FBB] =	sst s10  }
0x35: {  	s10 =	sld [smem:$0x3FBA];
	_ =	sdelay $0x3  }
0x36: {  	p1 =	seq.s32 s10, $0x1;
	s10 =	sld [smem:$0x3FBB];
	_ =	sdelay $0x3  }
0x37: {  	[smem:$0x3FBB] =	sst s10  }
0x38: {  	s10 =	sld [smem:$0x3FBC]  }
0x39: {  	_ = 	snop;
	(pc) =	sbr.ind lr, $3  }
0x3a: {  	_ = 	snop  }
0x3b: {  	_ = 	snop  }
0x3c: {  	p2 =	seq.s32 s10, $0x1;
	s10 =	sld [smem:$0x3FBB]  }
0x3d: {  	_ =	shalt  }
0x3e: {  	_ =	shalt  }
0x3f: {  	_ =	shalt  }
0x40: {  	_ =	shalt  }
0x41: {  	_ =	shalt  }
0x42: {  	_ =	shalt  }
0x43: {  	_ =	shalt  }
0x44: {  	_ =	shalt  }
0x45: {  	_ =	shalt  }
0x46: {  	_ =	shalt  }
0x47: {  	_ =	shalt  }
0x48: {  	_ =	shalt  }
0x49: {  	_ =	shalt  }
0x4a: {  	_ =	shalt  }
0x4b: {  	_ =	shalt  }
0x4c: {  	_ =	shalt  }
0x4d: {  	_ =	shalt  }
0x4e: {  	_ =	shalt  }
0x4f: {  	_ =	shalt  }
0x50: {  	_ =	shalt  }
0x51: {  	_ =	shalt  }
0x52: {  	_ =	shalt  }
0x53: {  	_ =	shalt  }
0x54: {  	_ =	shalt  }
0x55: {  	_ =	shalt  }
0x56: {  	_ =	shalt  }
0x57: {  	_ =	shalt  }
0x58: {  	_ =	shalt  }
0x59: {  	_ =	shalt  }
0x5a: {  	_ =	shalt  }
0x5b: {  	_ =	shalt  }
0x5c: {  	_ =	shalt  }
0x5d: {  	_ =	shalt  }
0x5e: {  	_ =	shalt  }
0x5f: {  	_ =	shalt  }
0x60: {  	_ =	shalt  }
0x61: {  	_ =	shalt  }
0x62: {  	_ =	shalt  }
0x63: {  	_ =	shalt  }
0x64: {  	_ =	shalt  }
0x65: {  	_ =	shalt  }
0x66: {  	_ =	shalt  }
0x67: {  	_ =	shalt  }
0x68: {  	_ =	shalt  }
0x69: {  	_ =	shalt  }
0x6a: {  	_ =	shalt  }
0x6b: {  	_ =	shalt  }
0x6c: {  	_ =	shalt  }
0x6d: {  	_ =	shalt  }
0x6e: {  	_ =	shalt  }
0x6f: {  	_ =	shalt  }
0x70: {  	_ =	shalt  }
0x71: {  	_ =	shalt  }
0x72: {  	_ =	shalt  }
0x73: {  	_ =	shalt  }
0x74: {  	_ =	shalt  }
0x75: {  	_ =	shalt  }
0x76: {  	_ =	shalt  }
0x77: {  	_ =	shalt  }
0x78: {  	_ =	shalt  }
0x79: {  	_ =	shalt  }
0x7a: {  	_ =	shalt  }
0x7b: {  	_ =	shalt  }
0x7c: {  	_ =	shalt  }
0x7d: {  	_ =	shalt  }
0x7e: {  	_ =	shalt  }
0x7f: {  	_ =	shalt  }
0x80: {  	_ =	shalt  }
0x81: {  	_ =	shalt  }
0x82: {  	_ =	shalt  }
0x83: {  	_ =	shalt  }
0x84: {  	_ =	shalt  }
0x85: {  	_ =	shalt  }
0x86: {  	_ =	shalt  }
0x87: {  	_ =	shalt  }
.Lfunc_end0:
.L_simem_size_0:
called_computation_lowered:
.L_overlay_start_0:
0x88: {  	s2 =	sld [smem:$0x3FD9]  }
0x89: {  	s3 =	sld [smem:$0x3FFE];
	_ =	sdelay $0x1  }
0x8a: {  	s1 =	srdreg.scid  }
0x8b: {  	s0 =	sand.u32 $0x1, s1  }
0x8c: {  	s18 =	sshll.u32 s0, $0xA;
	s2 =	sadd.s32 s3, s2  }
0x8d: {  	s2 =	sadd.s32 s2, s18  }
0x8e: {  	[smem:$0x3FC7] =	sst s2  }
0x8f: {  	_ = 	snop  }
0x90: {  	s2 =	sld [smem:$0x3FC9]  }
0x91: {  	s19 =	sld [smem:$0x3FD0];
	(tm) =	ssettm $0x1  }
0x92: {  	s4 =	sld [smem:$0x3FFB];
	_ =	sdelay $0x3  }
0x93: {  	_ =	strace s4  }
0x94: {  	s4 =	sld [smem:$0x3FFC];
	_ =	sdelay $0x3  }
0x95: {  	_ =	strace s4  }
0x96: {  	s4 =	sld [smem:$0x3FFD];
	_ =	sdelay $0x3  }
0x97: {  	_ =	strace s4  }
0x98: {  	_ =	strace $0x8FFFFFFF  }
0x99: {  	s20 =	sld [smem:$0x3FDB];
	_ =	sdelay $0x1  }
0x9a: {  	s5 =	simm.s32 $_scs_section_size  }
0x9b: {  	s6 =	simm.s32 $_size__tile_overlayer_lowered;
	s7 =	simm.s32 $_tile_overlayer_lowered  }
0x9c: {  	s23 =	simm.s32 $0x1BFF;
	s22 =	sshll.u32 s7, $0x1;
	s4 =	sadd.s32 s5, s20  }
0x9d: {  	s8 =	simm.s32 $0x0;
	s21 =	sshll.u32 s6, $0x1;
	s6 =	sadd.s32 s22, s4  }
0x9e: {  	[timem:s8], [sflag:s23] =	dma.local [hbm:s6], s21  }
0x9f: {  	_ =	swait.ge [sflag:s23], s21  }
0xa0: {  	s5 =	ssub.s32 $0x0, s21;
	[sflag:s23] =	ssyncset.done $0x0  }
0xa1: {  	[sflag:s23] =	ssyncadd.s32 s5;
	_ =	sdelay $0x1  }
0xa2: {  	s24 =	simm.s32 $0x1B8B  }
0xa3: {  	_ =	swait.ge [sflag:s24], $0x1  }
0xa4: {  	[sflag:s24] =	ssyncset.done $0x0  }
0xa5: {  	s25 =	simm.s32 $0x1B8E;
	[sflag:s24] =	ssyncadd.s32 $0xFFFFFFFF  }
0xa6: {  	s26 =	simm.s32 $execute0_lowered;
	[smem:$0x3FD2] =	sst s25  }
0xa7: {  	s5 =	sshll.u32 s26, $0x1;
	_ =	strace $0x80000046;
	[dreg:$0x1] =	wrdreg $0xFFFFFFFF  }
0xa8: {  	s28 =	simm.s32 $_size_execute0_lowered;
	s4 =	sadd.s32 s4, s5;
	[dreg:$0x0] =	wrdreg $0x0  }
0xa9: {  	s5 =	sshll.u32 s28, $0x1;
	[dreg:$0x2] =	wrdreg s4  }
0xaa: {  	[dreg:$0x3] =	wrdreg s5  }
0xab: {  	[dreg:$0x4] =	wrdreg $0xC0  }
0xac: {  	_ =	task [dreg:s8], $0x5FFFF  }
0xad: {  	[dreg:$0x1] =	wrdreg $0xFFFFFFFF  }
0xae: {  	[dreg:$0x0] =	wrdreg $0x60  }
0xaf: {  	[dreg:$0x2] =	wrdreg s2  }
0xb0: {  	[dreg:$0x3] =	wrdreg s19  }
0xb1: {  	[dreg:$0x4] =	wrdreg $0x9  }
0xb2: {  	_ =	task.clear_ibuf [dreg:s8], $0x5FFFF;
	_ =	strace $0x90000046  }
0xb3: {  	s29 =	simm.s32 $0x9;
	_ =	strace $0x80000048  }
0xb4: {  	_ =	swait.ge [sflag:s29], $0x1  }
0xb5: {  	[sflag:s29] =	ssyncadd.s32 $0xFFFFFFFF  }
0xb6: {  	_ =	strace $0x90000048  }
0xb7: {  	_ =	sfence  }
0xb8: {  	s30 =	sld [smem:$0x0];
	_ =	sdelay $0x2  }
0xb9: {  	s31 =	sshll.u32 s1, $0xD;
	s1 =	sshrl.u32 s1, $0x2  }
0xba: {  	s3 =	sand.u32 $0x4000, s31;
	s1 =	sadd.s32 s1, s30  }
0xbb: {  	s0 =	sor.u32 s3, s0;
	s1 =	sshll.u32 s1, $0x11  }
0xbc: {  	s0 =	sor.u32 s1, s0  }
0xbd: {  	s0 =	sadd.s32 $0x8F2B, s0  }
0xbe: {  	[sflag:s0] =	ssyncadd.remote.s32 $0x1  }
0xbf: {  	_ =	sfence.sel $0xFFFF  }
0xc0: {  	[dreg:$0x0] =	wrdreg $0xFFFFFFFF;
	(pc) =	sbr.abs _section_cstart, $3  }
0xc1: {  	[dreg:$0x1] =	wrdreg $0xFFFFFFFF  }
0xc2: {  	_ =	task.clear_ibuf [dreg:s8], $0x2FFFF;
	_ =	strace $0x9FFFFFFF  }
0xc3: {  	(tm) =	ssettm $0x7FFFFFFF  }
tec
execute0_lowered:
.L_overlay_start_1:
0x0: {  	(tag) =	ssettag $0x1  }
0x1: {  	s1 =	stileid.u32  }
0x2: {  	p0 =	seq.s32 s1, $0xF  }
.Ltmp0:
0x3: {  	_ = 	snop;
	(pc) =	sbr.rel @p0 .LBB2_4-.Ltmp0, $4  }
0x4: {  	s5 =	rddreg [dreg:$0x0]  }
0x5: {  	s3 =	rddreg [dreg:$0x1];
	s2 =	simm.s32 $0x0  }
0x6: {  	[smem:$0x7FF] =	sst s2  }
0x7: {  	s0 =	rddreg [dreg:$0x2];
	_ =	strace $0x80000047  }
0x8: {  	s4 =	srdreg.scid  }
0x9: {  	s25 =	sshll.u32 s1, $0x1;
	s8 =	sand.u32 $0x1, s4  }
0xa: {  	s4 =	sor.u32 s8, s25  }
0xb: {  	s10 =	sshllo.u32 s4, $0x1  }
0xc: {  	s6 =	smul.u32 $0x34, s10  }
0xd: {  	s7 =	sshll.u32 s4, $0x1  }
0xe: {  	s9 =	smul.u32 $0x34, s7;
	s6 =	sshrl.u32 s6, $0x8  }
0xf: {  	s11 =	smul.u32 $0xFFFFFFFB, s6  }
0x10: {  	s13 =	simm.s32 $0xD;
	s9 =	sshrl.u32 s9, $0x8  }
0x11: {  	s14 =	simm.s32 $0x4;
	s12 =	smul.u32 $0xFFFFFFFB, s9;
	s11 =	sadd.s32 s10, s11  }
0x12: {  	s6 =	sshll.u32 s6, $0x5;
	s9 =	sshll.u32 s9, $0x5;
	p0 =	seq.s32 s11, $0x2  }
0x13: {  	s7 =	sadd.s32 s7, s12;
	s12 =	simm.s32 $0xD;
	s13 =	simm.s32 @!p0 $0x0  }
0x14: {  	p1 =	seq.s32 s11, $0x1;
	p0 =	seq.s32 s7, $0x2;
	s6 =	sor.u32 s6, s13  }
0x15: {  	s13 =	simm.s32 $0x4;
	s12 =	simm.s32 @!p0 $0x0;
	p0 =	seq.s32 s7, $0x1  }
0x16: {  	s13 =	simm.s32 @!p1 $0x0;
	s9 =	sor.u32 s9, s12;
	s14 =	simm.s32 @!p0 $0x0  }
0x17: {  	p0 =	seq.s32 s11, $0x3;
	s12 =	simm.s32 $0x16;
	s9 =	sadd.s32 s14, s9  }
0x18: {  	s14 =	simm.s32 $0x16;
	s12 =	simm.s32 @!p0 $0x0;
	p0 =	seq.s32 s7, $0x3  }
0x19: {  	s14 =	simm.s32 @!p0 $0x0;
	p0 =	seq.s32 s7, $0x4;
	s7 =	simm.s32 $0x1F  }
0x1a: {  	s6 =	sadd.s32 s13, s6;
	s9 =	sadd.s32 s14, s9;
	s7 =	simm.s32 @!p0 $0x0  }
0x1b: {  	p0 =	seq.s32 s11, $0x4;
	s11 =	simm.s32 $0x1F;
	s7 =	sadd.s32 s7, s9  }
0x1c: {  	s6 =	sadd.s32 s12, s6;
	s11 =	simm.s32 @!p0 $0x0;
	s7 =	smul.u32 $0x1C00, s7  }
0x1d: {  	s26 =	smul.u32 $0x3800, s4;
	s28 =	sadd.s32 s11, s6  }
0x1e: {  	s6 =	smul.u32 $0x1C00, s28;
	s4 =	sadd.s32 s5, s7  }
0x1f: {  	[tilespmem:s2], [sflag:$0x1] =	stream.linear.gather [hbm4b:s4+s2], $0xE000, $0x38;
	[tilespmem:$0x1C000] =	vst v63  }
0x20: {  	s7 =	simm.s32 $0x1;
	s5 =	sadd.s32 s5, s6;
	s6 =	simm.s32 $0xE000  }
0x21: {  	[tilespmem:s6], [sflag:$0x2] =	stream.linear.gather [hbm4b:s5+s2], $0xE000, $0x38;
	[tilespmem:$0x1C000] =	vst v63  }
0x22: {  	s30 =	ssub.s32 $0x2, s8;
	_ =	swait.ge [sflag:s7], $0xE000  }
0x23: {  	s31 =	sshrl.u32 s30, $0x1;
	s29 =	smul.u32 $0x1C00, s10;
	[sflag:s7] =	ssyncset.done $0x0  }
0x24: {  	s10 =	simm.s32 $0x2;
	s9 =	sadd.s32 s3, s26;
	[sflag:s7] =	ssyncadd.s32 $0xFFFF2000  }
0x25: {  	[hbm4b:s9+s2] =	stream.linear.scatter [tilespmem:s2], [sflag:$0x3], $0xE000, $0x38;
	[tilespmem:$0x1C000] =	vst v63  }
0x26: {  	s12 =	ssub.s32 s30, s31;
	_ =	swait.ge [sflag:s10], $0xE000  }
0x27: {  	s8 =	simm.s32 $0x3;
	s12 =	smax.u32 s12, $0x1;
	[sflag:s10] =	ssyncset.done $0x0  }
0x28: {  	s3 =	sadd.s32 s3, s29;
	p0 =	sne.s32 s12, $0x1;
	[sflag:s10] =	ssyncadd.s32 $0xFFFF2000  }
0x29: {  	[hbm4b:s3+s2] =	stream.linear.scatter [tilespmem:s6], [sflag:$0x4], $0xE000, $0x38;
	[tilespmem:$0x1C000] =	vst v63  }
.Ltmp1:
0x2a: {  	_ =	swait.ge [sflag:s8], $0xE000;
	(pc) =	sbr.rel @!p0 .LBB2_3-.Ltmp1, $4  }
0x2b: {  	[sflag:s8] =	ssyncset.done $0x0  }
0x2c: {  	s11 =	simm.s32 $0x4;
	[sflag:s8] =	ssyncadd.s32 $0xFFFF2000  }
0x2d: {  	_ =	swait.ge [sflag:s11], $0xE000  }
0x2e: {  	s12 =	sadd.s32 $0xFFFFFFFF, s12;
	[sflag:s11] =	ssyncset.done $0x0  }
.LBB2_2:
0x2f: {  	p0 =	sne.s32 s12, $0x1;
	s12 =	sadd.s32 $0xFFFFFFFF, s12;
	[sflag:s11] =	ssyncadd.s32 $0xFFFF2000  }
0x30: {  	[tilespmem:s2], [sflag:$0x1] =	stream.linear.gather [hbm4b:s4+s2], $0xE000, $0x38;
	[tilespmem:$0x1C000] =	vst v63  }
0x31: {  	_ = 	snop  }
0x32: {  	[tilespmem:s6], [sflag:$0x2] =	stream.linear.gather [hbm4b:s5+s2], $0xE000, $0x38;
	[tilespmem:$0x1C000] =	vst v63  }
0x33: {  	_ =	swait.ge [sflag:s7], $0xE000  }
0x34: {  	[sflag:s7] =	ssyncset.done $0x0  }
0x35: {  	[sflag:s7] =	ssyncadd.s32 $0xFFFF2000  }
0x36: {  	[hbm4b:s9+s2] =	stream.linear.scatter [tilespmem:s2], [sflag:$0x3], $0xE000, $0x38;
	[tilespmem:$0x1C000] =	vst v63  }
0x37: {  	_ =	swait.ge [sflag:s10], $0xE000  }
0x38: {  	[sflag:s10] =	ssyncset.done $0x0  }
0x39: {  	[sflag:s10] =	ssyncadd.s32 $0xFFFF2000  }
0x3a: {  	[hbm4b:s3+s2] =	stream.linear.scatter [tilespmem:s6], [sflag:$0x4], $0xE000, $0x38;
	[tilespmem:$0x1C000] =	vst v63  }
.Ltmp2:
0x3b: {  	_ =	swait.ge [sflag:s8], $0xE000;
	(pc) =	sbr.rel @p0 .LBB2_2-.Ltmp2, $4  }
0x3c: {  	[sflag:s8] =	ssyncset.done $0x0  }
0x3d: {  	[sflag:s8] =	ssyncadd.s32 $0xFFFF2000  }
0x3e: {  	_ =	swait.ge [sflag:s11], $0xE000  }
0x3f: {  	[sflag:s11] =	ssyncset.done $0x0  }
.LBB2_3:
0x40: {  	[sflag:s11] =	ssyncadd.s32 $0xFFFF2000  }
.LBB2_4:
0x41: {  	_ =	sfence.sel $0x180000  }
0x42: {  	[bflag:$0x0] =	sbarrier.arrive $0xFFFF  }
0x43: {  	p0 =	sne.s32 s1, $0x0;
	_ =	strace $0x90000047  }
0x44: {  	s0 =	sadd.s32 @!p0 $0x100000, s0;
	[bflag:$0x2] =	sbarrier.arrive $0xFFFF  }
0x45: {  	[sflag:s0] =	ssyncadd.tile.s32 @!p0 $0x1;
	_ =	shalt  }
.Lfunc_end2:
_tile_overlayer_lowered:
.L_overlay_start_2:
0x46: {  	(tag) =	ssettag $0x2  }
0x47: {  	s0 =	rddreg [dreg:$0x0];
	s2 =	stileid.u32  }
0x48: {  	s1 =	rddreg [dreg:$0x1];
	p0 =	sne.s32 s2, $0x0  }
0x49: {  	s3 =	rddreg [dreg:$0x2];
	[bflag:$0x3] =	sbarrier.arrive $0xFFFF;
	s2 =	simm.s32 @!p0 $0x1C05  }
0x4a: {  	[timem:s3], [sflag:s2] =	dma.local @!p0 [hbm:s0], s1  }
0x4b: {  	s0 =	simm.s32 @!p0 $0x5  }
0x4c: {  	_ =	swait.ge @!p0 [sflag:s0], s1  }
0x4d: {  	s1 =	ssub.s32 @!p0 $0x0, s1;
	[sflag:s0] =	ssyncset.done @!p0 $0x0  }
0x4e: {  	[sflag:s0] =	ssyncadd.s32 @!p0 s1  }
0x4f: {  	[bflag:$0x3] =	sbarrier.arrive $0xFFFF  }
0x50: {  	_ =	shalt  }

</sc_bundles>
